<compile_context>
chip_gen: v7x
topology: tpu7x:2x2x1
jax: 0.10.2.dev20260603
libtpu: 0.0.44.dev20260713+nightly
codegen_flags: <defaults>
</compile_context>

<pallas_src>
import functools

import numpy as np
import jax
import jax.numpy as jnp
from jax import lax
from jax.experimental import pallas as pl
from jax.experimental.pallas import tpu as pltpu
from jax.experimental.pallas import tpu_sc as plsc

_B = 1024
_N = 4096


def _make_perm() -> np.ndarray:
    np.random.seed(42)
    ind = np.arange(_N)
    np.random.shuffle(ind)
    return ind.astype(np.int32)


_PERM = _make_perm()

_NC = 2
_NS = 16
_L = 16
_NW = _NC * _NS
_ROWS_PER_W = _B // _NW
_C = 4
_NCHUNK = _ROWS_PER_W // _C
_SLOTS_IN = 4
_SLOTS_OUT = 3
_UNROLL = 2


@functools.cache
def _build():
    mesh = plsc.VectorSubcoreMesh(core_axis_name="c", subcore_axis_name="s")

    @functools.partial(
        pl.kernel,
        mesh=mesh,
        out_type=jax.ShapeDtypeStruct((_B, _N), jnp.float32),
        scratch_types=[
            pltpu.VMEM((_N,), jnp.int32),
            pltpu.VMEM((_SLOTS_IN, _C, _N), jnp.float32),
            pltpu.VMEM((_SLOTS_OUT, _C, _N), jnp.float32),
            pltpu.SemaphoreType.DMA((_SLOTS_IN,)),
            pltpu.SemaphoreType.DMA((_SLOTS_OUT,)),
            pltpu.SemaphoreType.DMA,
        ],
        compiler_params=pltpu.CompilerParams(needs_layout_passes=False),
    )
    def shuffle_sc(x_hbm, perm_hbm, out_hbm, idx_v, in_v, out_v,
                   in_sems, out_sems, perm_sem):
        wid = lax.axis_index("s") * _NC + lax.axis_index("c")
        row0 = wid * _ROWS_PER_W

        def in_copy(g, slot):
            return pltpu.make_async_copy(
                x_hbm.at[pl.ds(row0 + g * _C, _C)], in_v.at[slot],
                in_sems.at[slot])

        def out_copy(g, slot):
            return pltpu.make_async_copy(
                out_v.at[slot], out_hbm.at[pl.ds(row0 + g * _C, _C)],
                out_sems.at[slot])

        perm_dma = pltpu.make_async_copy(perm_hbm, idx_v, perm_sem)
        perm_dma.start()
        for s in range(_SLOTS_IN):
            in_copy(s, s).start()
        perm_dma.wait()

        def chunk_body(g, carry):
            bi = g % _SLOTS_IN
            b = g % _SLOTS_OUT
            in_copy(g, bi).wait()

            @pl.when(g >= _SLOTS_OUT)
            def _():
                out_copy(g - _SLOTS_OUT, b).wait()

            bi_idx = jnp.full((_L,), bi, jnp.int32)

            @plsc.parallel_loop(0, _N // _L, unroll=_UNROLL)
            def _gather(jb):
                col = jb * _L
                idx = idx_v[pl.ds(col, _L)]
                for r in range(_C):
                    row_idx = jnp.full((_L,), r, jnp.int32)
                    out_v[b, r, pl.ds(col, _L)] = plsc.load_gather(
                        in_v, [bi_idx, row_idx, idx])

            out_copy(g, b).start()

            @pl.when(g + _SLOTS_IN < _NCHUNK)
            def _():
                in_copy(g + _SLOTS_IN, bi).start()

            return carry

        lax.fori_loop(0, _NCHUNK, chunk_body, 0)
        for g in range(_NCHUNK - _SLOTS_OUT, _NCHUNK):
            out_copy(g, g % _SLOTS_OUT).wait()

    return shuffle_sc


@functools.cache
def _perm_on_device():
    return jax.device_put(jnp.asarray(_PERM))


def kernel(x):
    return _build()(x, _perm_on_device())

# --- scband reference (transcript-rebuilt; emitter-appended) ---
"""Pipeline reference for scband-shuffle-75161927680712 (READ-ONLY COPY).

The authoritative reference and input builder live on the scoring server;
editing this copy changes nothing except your own understanding.
"""

import jax, jax.numpy as jnp
import numpy as np

BATCH_SIZE = 1024
INPUT_SIZE = 4096
SEED = 42

def _make_perm():
    np.random.seed(SEED)
    ind = np.arange(INPUT_SIZE)
    np.random.shuffle(ind)
    return jnp.asarray(ind, dtype=jnp.int32)

_PERM = _make_perm()

def setup_inputs(seed: int = 0) -> dict:
    key = jax.random.key(seed)
    x = jax.random.normal(key, (BATCH_SIZE, INPUT_SIZE), dtype=jnp.float32)
    return {"x": x}

def reference(x):
    # Faithful to tf.gather_nd with indices [i, perm[j]] then reshape:
    # out[i, j] = x[i, perm[j]]  -> gather along axis 1 with fixed permutation
    return jnp.take(x, _PERM, axis=1)

if __name__ == "__main__":
    import jax
    _d = setup_inputs()
    print(jax.jit(kernel)(*tuple(_d.values())))

</pallas_src>

<mosaic_0001>
#map = affine_map<(d0, d1) -> (0, 0)>
#map1 = affine_map<(d0, d1) -> (0)>
module attributes {stable_mosaic.version = 14 : i64} {
  func.func @shuffle_sc(%arg0: i32, %arg1: i32, %arg2: memref<1024x4096xf32, #tpu.memory_space<hbm>>, %arg3: memref<4096xi32, #tpu.memory_space<hbm>>, %arg4: memref<1024x4096xf32, #tpu.memory_space<hbm>>, %arg5: memref<4096xi32, #tpu.memory_space<vmem>>, %arg6: memref<4x4x4096xf32, #tpu.memory_space<vmem>>, %arg7: memref<3x4x4096xf32, #tpu.memory_space<vmem>>, %arg8: memref<4x!tpu.dma_semaphore, #tpu.memory_space<semaphore_mem>>, %arg9: memref<3x!tpu.dma_semaphore, #tpu.memory_space<semaphore_mem>>, %arg10: memref<!tpu.dma_semaphore, #tpu.memory_space<semaphore_mem>>) attributes {dimension_semantics = [#tpu.dimension_semantics<core_parallel>, #tpu.dimension_semantics<subcore_parallel>], iteration_bounds = array<i64: 2, 16>, scalar_prefetch = 0 : i64, scratch_operands = 6 : i64, tpu.core_type = #tpu.core_type<sc_vector_subcore>, window_params = [{transform_indices = #map}, {transform_indices = #map1}, {transform_indices = #map}]} {
    %mul3A = arith.constant 2 : i32
    %mul3A_0 = arith.muli %arg1, %mul3A : i32
    %add3A = arith.addi %mul3A_0, %arg0 : i32
    %mul3A_1 = arith.constant 32 : i32
    %mul3A_2 = arith.muli %add3A, %mul3A_1 : i32
    tpu.enqueue_dma source(%arg3 : memref<4096xi32, #tpu.memory_space<hbm>>) target(%arg5 : memref<4096xi32, #tpu.memory_space<vmem>>) target_semaphore(%arg10 : memref<!tpu.dma_semaphore, #tpu.memory_space<semaphore_mem>>)
    %add3A_3 = arith.constant 0 : i32
    %add3A_4 = arith.addi %mul3A_2, %add3A_3 : i32
    %dma_start3A = arith.constant 0 : i32
    %dma_start3A_5 = arith.constant 0 : i32
    %dma_start3A_6 = arith.constant 0 : i32
    %dma_start3A_7 = arith.constant 0 : i32
    %dma_start3A_8 = tpu.memref_slice %arg6[%dma_start3A, %dma_start3A_6, %dma_start3A_7] : memref<4x4x4096xf32, #tpu.memory_space<vmem>> -> memref<1x4x4096xf32, #tpu.memory_space<vmem>>
    %dma_start3A_9 = tpu.memref_squeeze %dma_start3A_8 : memref<1x4x4096xf32, #tpu.memory_space<vmem>> -> memref<4x4096xf32, #tpu.memory_space<vmem>>
    %dma_start3A_10 = arith.constant 0 : i32
    %dma_start3A_11 = tpu.memref_slice %arg2[%add3A_4, %dma_start3A_10] : memref<1024x4096xf32, #tpu.memory_space<hbm>> -> memref<4x4096xf32, #tpu.memory_space<hbm>>
    %dma_start3A_12 = tpu.memref_slice %arg8[%dma_start3A_5] : memref<4x!tpu.dma_semaphore, #tpu.memory_space<semaphore_mem>> -> memref<1x!tpu.dma_semaphore, #tpu.memory_space<semaphore_mem>>
    %dma_start3A_13 = tpu.memref_squeeze %dma_start3A_12 : memref<1x!tpu.dma_semaphore, #tpu.memory_space<semaphore_mem>> -> memref<!tpu.dma_semaphore, #tpu.memory_space<semaphore_mem>>
    %dma_start3A_14 = arith.constant 0 : i32
    %dma_start3A_15 = arith.constant 0 : i32
    %dma_start3A_16 = tpu.memref_slice %arg6[%dma_start3A, %dma_start3A_14, %dma_start3A_15] : memref<4x4x4096xf32, #tpu.memory_space<vmem>> -> memref<1x4x4096xf32, #tpu.memory_space<vmem>>
    %dma_start3A_17 = tpu.memref_squeeze %dma_start3A_16 : memref<1x4x4096xf32, #tpu.memory_space<vmem>> -> memref<4x4096xf32, #tpu.memory_space<vmem>>
    %dma_start3A_18 = arith.constant 0 : i32
    %dma_start3A_19 = tpu.memref_slice %arg2[%add3A_4, %dma_start3A_18] : memref<1024x4096xf32, #tpu.memory_space<hbm>> -> memref<4x4096xf32, #tpu.memory_space<hbm>>
    tpu.enqueue_dma source(%dma_start3A_19 : memref<4x4096xf32, #tpu.memory_space<hbm>>) target(%dma_start3A_17 : memref<4x4096xf32, #tpu.memory_space<vmem>>) target_semaphore(%dma_start3A_13 : memref<!tpu.dma_semaphore, #tpu.memory_space<semaphore_mem>>)
    %add3A_20 = arith.constant 4 : i32
    %add3A_21 = arith.addi %mul3A_2, %add3A_20 : i32
    %dma_start3A_22 = arith.constant 1 : i32
    %dma_start3A_23 = arith.constant 1 : i32
    %dma_start3A_24 = arith.constant 0 : i32
    %dma_start3A_25 = arith.constant 0 : i32
    %dma_start3A_26 = tpu.memref_slice %arg6[%dma_start3A_22, %dma_start3A_24, %dma_start3A_25] : memref<4x4x4096xf32, #tpu.memory_space<vmem>> -> memref<1x4x4096xf32, #tpu.memory_space<vmem>>
    %dma_start3A_27 = tpu.memref_squeeze %dma_start3A_26 : memref<1x4x4096xf32, #tpu.memory_space<vmem>> -> memref<4x4096xf32, #tpu.memory_space<vmem>>
    %dma_start3A_28 = arith.constant 0 : i32
    %dma_start3A_29 = tpu.memref_slice %arg2[%add3A_21, %dma_start3A_28] : memref<1024x4096xf32, #tpu.memory_space<hbm>> -> memref<4x4096xf32, #tpu.memory_space<hbm>>
    %dma_start3A_30 = tpu.memref_slice %arg8[%dma_start3A_23] : memref<4x!tpu.dma_semaphore, #tpu.memory_space<semaphore_mem>> -> memref<1x!tpu.dma_semaphore, #tpu.memory_space<semaphore_mem>>
    %dma_start3A_31 = tpu.memref_squeeze %dma_start3A_30 : memref<1x!tpu.dma_semaphore, #tpu.memory_space<semaphore_mem>> -> memref<!tpu.dma_semaphore, #tpu.memory_space<semaphore_mem>>
    %dma_start3A_32 = arith.constant 0 : i32
    %dma_start3A_33 = arith.constant 0 : i32
    %dma_start3A_34 = tpu.memref_slice %arg6[%dma_start3A_22, %dma_start3A_32, %dma_start3A_33] : memref<4x4x4096xf32, #tpu.memory_space<vmem>> -> memref<1x4x4096xf32, #tpu.memory_space<vmem>>
    %dma_start3A_35 = tpu.memref_squeeze %dma_start3A_34 : memref<1x4x4096xf32, #tpu.memory_space<vmem>> -> memref<4x4096xf32, #tpu.memory_space<vmem>>
    %dma_start3A_36 = arith.constant 0 : i32
    %dma_start3A_37 = tpu.memref_slice %arg2[%add3A_21, %dma_start3A_36] : memref<1024x4096xf32, #tpu.memory_space<hbm>> -> memref<4x4096xf32, #tpu.memory_space<hbm>>
    tpu.enqueue_dma source(%dma_start3A_37 : memref<4x4096xf32, #tpu.memory_space<hbm>>) target(%dma_start3A_35 : memref<4x4096xf32, #tpu.memory_space<vmem>>) target_semaphore(%dma_start3A_31 : memref<!tpu.dma_semaphore, #tpu.memory_space<semaphore_mem>>)
    %add3A_38 = arith.constant 8 : i32
    %add3A_39 = arith.addi %mul3A_2, %add3A_38 : i32
    %dma_start3A_40 = arith.constant 2 : i32
    %dma_start3A_41 = arith.constant 2 : i32
    %dma_start3A_42 = arith.constant 0 : i32
    %dma_start3A_43 = arith.constant 0 : i32
    %dma_start3A_44 = tpu.memref_slice %arg6[%dma_start3A_40, %dma_start3A_42, %dma_start3A_43] : memref<4x4x4096xf32, #tpu.memory_space<vmem>> -> memref<1x4x4096xf32, #tpu.memory_space<vmem>>
    %dma_start3A_45 = tpu.memref_squeeze %dma_start3A_44 : memref<1x4x4096xf32, #tpu.memory_space<vmem>> -> memref<4x4096xf32, #tpu.memory_space<vmem>>
    %dma_start3A_46 = arith.constant 0 : i32
    %dma_start3A_47 = tpu.memref_slice %arg2[%add3A_39, %dma_start3A_46] : memref<1024x4096xf32, #tpu.memory_space<hbm>> -> memref<4x4096xf32, #tpu.memory_space<hbm>>
    %dma_start3A_48 = tpu.memref_slice %arg8[%dma_start3A_41] : memref<4x!tpu.dma_semaphore, #tpu.memory_space<semaphore_mem>> -> memref<1x!tpu.dma_semaphore, #tpu.memory_space<semaphore_mem>>
    %dma_start3A_49 = tpu.memref_squeeze %dma_start3A_48 : memref<1x!tpu.dma_semaphore, #tpu.memory_space<semaphore_mem>> -> memref<!tpu.dma_semaphore, #tpu.memory_space<semaphore_mem>>
    %dma_start3A_50 = arith.constant 0 : i32
    %dma_start3A_51 = arith.constant 0 : i32
    %dma_start3A_52 = tpu.memref_slice %arg6[%dma_start3A_40, %dma_start3A_50, %dma_start3A_51] : memref<4x4x4096xf32, #tpu.memory_space<vmem>> -> memref<1x4x4096xf32, #tpu.memory_space<vmem>>
    %dma_start3A_53 = tpu.memref_squeeze %dma_start3A_52 : memref<1x4x4096xf32, #tpu.memory_space<vmem>> -> memref<4x4096xf32, #tpu.memory_space<vmem>>
    %dma_start3A_54 = arith.constant 0 : i32
    %dma_start3A_55 = tpu.memref_slice %arg2[%add3A_39, %dma_start3A_54] : memref<1024x4096xf32, #tpu.memory_space<hbm>> -> memref<4x4096xf32, #tpu.memory_space<hbm>>
    tpu.enqueue_dma source(%dma_start3A_55 : memref<4x4096xf32, #tpu.memory_space<hbm>>) target(%dma_start3A_53 : memref<4x4096xf32, #tpu.memory_space<vmem>>) target_semaphore(%dma_start3A_49 : memref<!tpu.dma_semaphore, #tpu.memory_space<semaphore_mem>>)
    %add3A_56 = arith.constant 12 : i32
    %add3A_57 = arith.addi %mul3A_2, %add3A_56 : i32
    %dma_start3A_58 = arith.constant 3 : i32
    %dma_start3A_59 = arith.constant 3 : i32
    %dma_start3A_60 = arith.constant 0 : i32
    %dma_start3A_61 = arith.constant 0 : i32
    %dma_start3A_62 = tpu.memref_slice %arg6[%dma_start3A_58, %dma_start3A_60, %dma_start3A_61] : memref<4x4x4096xf32, #tpu.memory_space<vmem>> -> memref<1x4x4096xf32, #tpu.memory_space<vmem>>
    %dma_start3A_63 = tpu.memref_squeeze %dma_start3A_62 : memref<1x4x4096xf32, #tpu.memory_space<vmem>> -> memref<4x4096xf32, #tpu.memory_space<vmem>>
    %dma_start3A_64 = arith.constant 0 : i32
    %dma_start3A_65 = tpu.memref_slice %arg2[%add3A_57, %dma_start3A_64] : memref<1024x4096xf32, #tpu.memory_space<hbm>> -> memref<4x4096xf32, #tpu.memory_space<hbm>>
    %dma_start3A_66 = tpu.memref_slice %arg8[%dma_start3A_59] : memref<4x!tpu.dma_semaphore, #tpu.memory_space<semaphore_mem>> -> memref<1x!tpu.dma_semaphore, #tpu.memory_space<semaphore_mem>>
    %dma_start3A_67 = tpu.memref_squeeze %dma_start3A_66 : memref<1x!tpu.dma_semaphore, #tpu.memory_space<semaphore_mem>> -> memref<!tpu.dma_semaphore, #tpu.memory_space<semaphore_mem>>
    %dma_start3A_68 = arith.constant 0 : i32
    %dma_start3A_69 = arith.constant 0 : i32
    %dma_start3A_70 = tpu.memref_slice %arg6[%dma_start3A_58, %dma_start3A_68, %dma_start3A_69] : memref<4x4x4096xf32, #tpu.memory_space<vmem>> -> memref<1x4x4096xf32, #tpu.memory_space<vmem>>
    %dma_start3A_71 = tpu.memref_squeeze %dma_start3A_70 : memref<1x4x4096xf32, #tpu.memory_space<vmem>> -> memref<4x4096xf32, #tpu.memory_space<vmem>>
    %dma_start3A_72 = arith.constant 0 : i32
    %dma_start3A_73 = tpu.memref_slice %arg2[%add3A_57, %dma_start3A_72] : memref<1024x4096xf32, #tpu.memory_space<hbm>> -> memref<4x4096xf32, #tpu.memory_space<hbm>>
    tpu.enqueue_dma source(%dma_start3A_73 : memref<4x4096xf32, #tpu.memory_space<hbm>>) target(%dma_start3A_71 : memref<4x4096xf32, #tpu.memory_space<vmem>>) target_semaphore(%dma_start3A_67 : memref<!tpu.dma_semaphore, #tpu.memory_space<semaphore_mem>>)
    tpu.wait_dma2 semaphore(%arg10 : memref<!tpu.dma_semaphore, #tpu.memory_space<semaphore_mem>>) src(%arg3 : memref<4096xi32, #tpu.memory_space<hbm>>) dst(%arg5 : memref<4096xi32, #tpu.memory_space<vmem>>)
    %scan3A = arith.constant 0 : i32
    %scan3A_74 = arith.constant 0 : i32
    %scan3A_75 = arith.constant 8 : i32
    %scan3A_76 = arith.addi %scan3A_74, %scan3A_75 : i32
    %scan3A_77 = arith.constant 1 : i32
    scf.for %scan3A_132 = %scan3A_74 to %scan3A_76 step %scan3A_77  : i32 {
      %jit3A = arith.constant 4 : i32
      %eq3A = arith.constant 0 : i32
      %eq3A_133 = arith.cmpi eq, %jit3A, %eq3A : i32
      %jit3A_134 = arith.constant 1 : i32
      %select_n3A = arith.select %eq3A_133, %jit3A_134, %jit3A : i32
      %rem3A = arith.remsi %scan3A_132, %select_n3A : i32
      %ne3A = arith.constant 0 : i32
      %ne3A_135 = arith.cmpi ne, %rem3A, %ne3A : i32
      %lt3A = arith.constant 0 : i32
      %lt3A_136 = arith.cmpi slt, %rem3A, %lt3A : i32
      %lt3A_137 = arith.constant 0 : i32
      %lt3A_138 = arith.cmpi slt, %select_n3A, %lt3A_137 : i32
      %ne3A_139 = arith.xori %lt3A_136, %lt3A_138 : i1
      %and3A = arith.andi %ne3A_139, %ne3A_135 : i1
      %add3A_140 = arith.addi %rem3A, %select_n3A : i32
      %select_n3A_141 = arith.select %and3A, %add3A_140, %rem3A : i32
      %jit3A_142 = arith.constant 3 : i32
      %eq3A_143 = arith.constant 0 : i32
      %eq3A_144 = arith.cmpi eq, %jit3A_142, %eq3A_143 : i32
      %jit3A_145 = arith.constant 1 : i32
      %select_n3A_146 = arith.select %eq3A_144, %jit3A_145, %jit3A_142 : i32
      %rem3A_147 = arith.remsi %scan3A_132, %select_n3A_146 : i32
      %ne3A_148 = arith.constant 0 : i32
      %ne3A_149 = arith.cmpi ne, %rem3A_147, %ne3A_148 : i32
      %lt3A_150 = arith.constant 0 : i32
      %lt3A_151 = arith.cmpi slt, %rem3A_147, %lt3A_150 : i32
      %lt3A_152 = arith.constant 0 : i32
      %lt3A_153 = arith.cmpi slt, %select_n3A_146, %lt3A_152 : i32
      %ne3A_154 = arith.xori %lt3A_151, %lt3A_153 : i1
      %and3A_155 = arith.andi %ne3A_154, %ne3A_149 : i1
      %add3A_156 = arith.addi %rem3A_147, %select_n3A_146 : i32
      %select_n3A_157 = arith.select %and3A_155, %add3A_156, %rem3A_147 : i32
      %mul3A_158 = arith.constant 4 : i32
      %mul3A_159 = arith.muli %scan3A_132, %mul3A_158 : i32
      %add3A_160 = arith.addi %mul3A_2, %mul3A_159 : i32
      %dma_wait3A_161 = arith.constant 0 : i32
      %dma_wait3A_162 = arith.constant 0 : i32
      %dma_wait3A_163 = tpu.memref_slice %arg6[%select_n3A_141, %dma_wait3A_161, %dma_wait3A_162] : memref<4x4x4096xf32, #tpu.memory_space<vmem>> -> memref<1x4x4096xf32, #tpu.memory_space<vmem>>
      %dma_wait3A_164 = tpu.memref_squeeze %dma_wait3A_163 : memref<1x4x4096xf32, #tpu.memory_space<vmem>> -> memref<4x4096xf32, #tpu.memory_space<vmem>>
      %dma_wait3A_165 = arith.constant 0 : i32
      %dma_wait3A_166 = tpu.memref_slice %arg2[%add3A_160, %dma_wait3A_165] : memref<1024x4096xf32, #tpu.memory_space<hbm>> -> memref<4x4096xf32, #tpu.memory_space<hbm>>
      %dma_wait3A_167 = tpu.memref_slice %arg8[%select_n3A_141] : memref<4x!tpu.dma_semaphore, #tpu.memory_space<semaphore_mem>> -> memref<1x!tpu.dma_semaphore, #tpu.memory_space<semaphore_mem>>
      %dma_wait3A_168 = tpu.memref_squeeze %dma_wait3A_167 : memref<1x!tpu.dma_semaphore, #tpu.memory_space<semaphore_mem>> -> memref<!tpu.dma_semaphore, #tpu.memory_space<semaphore_mem>>
      %dma_wait3A_169 = arith.constant 0 : i32
      %dma_wait3A_170 = arith.constant 0 : i32
      %dma_wait3A_171 = tpu.memref_slice %arg6[%select_n3A_141, %dma_wait3A_169, %dma_wait3A_170] : memref<4x4x4096xf32, #tpu.memory_space<vmem>> -> memref<1x4x4096xf32, #tpu.memory_space<vmem>>
      %dma_wait3A_172 = tpu.memref_squeeze %dma_wait3A_171 : memref<1x4x4096xf32, #tpu.memory_space<vmem>> -> memref<4x4096xf32, #tpu.memory_space<vmem>>
      %dma_wait3A_173 = arith.constant 0 : i32
      %dma_wait3A_174 = tpu.memref_slice %arg2[%add3A_160, %dma_wait3A_173] : memref<1024x4096xf32, #tpu.memory_space<hbm>> -> memref<4x4096xf32, #tpu.memory_space<hbm>>
      tpu.wait_dma2 semaphore(%dma_wait3A_168 : memref<!tpu.dma_semaphore, #tpu.memory_space<semaphore_mem>>) src(%dma_wait3A_174 : memref<4x4096xf32, #tpu.memory_space<hbm>>) dst(%dma_wait3A_172 : memref<4x4096xf32, #tpu.memory_space<vmem>>)
      %ge3A = arith.constant 3 : i32
      %ge3A_175 = arith.cmpi sge, %scan3A_132, %ge3A : i32
      %convert_element_type3A = arith.extui %ge3A_175 : i1 to i32
      %cond3A = arith.constant 0 : i32
      %cond3A_176 = arith.cmpi ne, %convert_element_type3A, %cond3A : i32
      scf.if %cond3A_176 {
        %sub3A = arith.constant 3 : i32
        %sub3A_203 = arith.subi %scan3A_132, %sub3A : i32
        %mul3A_204 = arith.constant 4 : i32
        %mul3A_205 = arith.muli %sub3A_203, %mul3A_204 : i32
        %add3A_206 = arith.addi %mul3A_2, %mul3A_205 : i32
        %dma_wait3A_207 = arith.constant 0 : i32
        %dma_wait3A_208 = arith.constant 0 : i32
        %dma_wait3A_209 = tpu.memref_slice %arg7[%select_n3A_157, %dma_wait3A_207, %dma_wait3A_208] : memref<3x4x4096xf32, #tpu.memory_space<vmem>> -> memref<1x4x4096xf32, #tpu.memory_space<vmem>>
        %dma_wait3A_210 = tpu.memref_squeeze %dma_wait3A_209 : memref<1x4x4096xf32, #tpu.memory_space<vmem>> -> memref<4x4096xf32, #tpu.memory_space<vmem>>
        %dma_wait3A_211 = arith.constant 0 : i32
        %dma_wait3A_212 = tpu.memref_slice %arg4[%add3A_206, %dma_wait3A_211] : memref<1024x4096xf32, #tpu.memory_space<hbm>> -> memref<4x4096xf32, #tpu.memory_space<hbm>>
        %dma_wait3A_213 = tpu.memref_slice %arg9[%select_n3A_157] : memref<3x!tpu.dma_semaphore, #tpu.memory_space<semaphore_mem>> -> memref<1x!tpu.dma_semaphore, #tpu.memory_space<semaphore_mem>>
        %dma_wait3A_214 = tpu.memref_squeeze %dma_wait3A_213 : memref<1x!tpu.dma_semaphore, #tpu.memory_space<semaphore_mem>> -> memref<!tpu.dma_semaphore, #tpu.memory_space<semaphore_mem>>
        %dma_wait3A_215 = arith.constant 0 : i32
        %dma_wait3A_216 = tpu.memref_slice %arg4[%add3A_206, %dma_wait3A_215] : memref<1024x4096xf32, #tpu.memory_space<hbm>> -> memref<4x4096xf32, #tpu.memory_space<hbm>>
        %dma_wait3A_217 = arith.constant 0 : i32
        %dma_wait3A_218 = arith.constant 0 : i32
        %dma_wait3A_219 = tpu.memref_slice %arg7[%select_n3A_157, %dma_wait3A_217, %dma_wait3A_218] : memref<3x4x4096xf32, #tpu.memory_space<vmem>> -> memref<1x4x4096xf32, #tpu.memory_space<vmem>>
        %dma_wait3A_220 = tpu.memref_squeeze %dma_wait3A_219 : memref<1x4x4096xf32, #tpu.memory_space<vmem>> -> memref<4x4096xf32, #tpu.memory_space<vmem>>
        tpu.wait_dma2 semaphore(%dma_wait3A_214 : memref<!tpu.dma_semaphore, #tpu.memory_space<semaphore_mem>>) src(%dma_wait3A_220 : memref<4x4096xf32, #tpu.memory_space<vmem>>) dst(%dma_wait3A_216 : memref<4x4096xf32, #tpu.memory_space<hbm>>)
      } else {
      }
      %broadcast_in_dim3A = vector.broadcast %select_n3A_141 : i32 to vector<16xi32>
      %parallel_loop3A = arith.constant 0 : i32
      %parallel_loop3A_177 = arith.constant 256 : i32
      %parallel_loop3A_178 = arith.constant 1 : i32
      scf.for %parallel_loop3A_203 = %parallel_loop3A to %parallel_loop3A_177 step %parallel_loop3A_178  : i32 {
        %parallel_loop3A_204 = arith.constant 16 : i32
        %parallel_loop3A_205 = arith.muli %parallel_loop3A_203, %parallel_loop3A_204 : i32
        %parallel_loop3A_206 = arith.index_cast %parallel_loop3A_205 : i32 to index
        %parallel_loop3A_207 = tpu.vector_load %arg5[%parallel_loop3A_206] {strides = array<i32>} : memref<4096xi32, #tpu.memory_space<vmem>>, vector<16xi32>,
        %parallel_loop3A_208 = arith.constant 0 : i32
        %parallel_loop3A_209 = vector.broadcast %parallel_loop3A_208 : i32 to vector<16xi32>
        %parallel_loop3A_210 = tpu.vector_load_idx %arg6[%broadcast_in_dim3A, %parallel_loop3A_209, %parallel_loop3A_207] : memref<4x4x4096xf32, #tpu.memory_space<vmem>>[vector<16xi32>, vector<16xi32>, vector<16xi32>], vector<16xf32>,
        %parallel_loop3A_211 = arith.constant 0 : i32
        %parallel_loop3A_212 = arith.index_cast %select_n3A_157 : i32 to index
        %parallel_loop3A_213 = arith.index_cast %parallel_loop3A_211 : i32 to index
        %parallel_loop3A_214 = arith.index_cast %parallel_loop3A_205 : i32 to index
        %parallel_loop3A_215 = tpu.vector_load %arg7[%parallel_loop3A_212, %parallel_loop3A_213, %parallel_loop3A_214] {strides = array<i32>} : memref<3x4x4096xf32, #tpu.memory_space<vmem>>, vector<16xf32>,
        tpu.vector_store %arg7[%parallel_loop3A_212, %parallel_loop3A_213, %parallel_loop3A_214], %parallel_loop3A_210 {strides = array<i32>} : memref<3x4x4096xf32, #tpu.memory_space<vmem>>, vector<16xf32>,
        %parallel_loop3A_216 = arith.constant 1 : i32
        %parallel_loop3A_217 = vector.broadcast %parallel_loop3A_216 : i32 to vector<16xi32>
        %parallel_loop3A_218 = tpu.vector_load_idx %arg6[%broadcast_in_dim3A, %parallel_loop3A_217, %parallel_loop3A_207] : memref<4x4x4096xf32, #tpu.memory_space<vmem>>[vector<16xi32>, vector<16xi32>, vector<16xi32>], vector<16xf32>,
        %parallel_loop3A_219 = arith.constant 1 : i32
        %parallel_loop3A_220 = arith.index_cast %select_n3A_157 : i32 to index
        %parallel_loop3A_221 = arith.index_cast %parallel_loop3A_219 : i32 to index
        %parallel_loop3A_222 = arith.index_cast %parallel_loop3A_205 : i32 to index
        %parallel_loop3A_223 = tpu.vector_load %arg7[%parallel_loop3A_220, %parallel_loop3A_221, %parallel_loop3A_222] {strides = array<i32>} : memref<3x4x4096xf32, #tpu.memory_space<vmem>>, vector<16xf32>,
        tpu.vector_store %arg7[%parallel_loop3A_220, %parallel_loop3A_221, %parallel_loop3A_222], %parallel_loop3A_218 {strides = array<i32>} : memref<3x4x4096xf32, #tpu.memory_space<vmem>>, vector<16xf32>,
        %parallel_loop3A_224 = arith.constant 2 : i32
        %parallel_loop3A_225 = vector.broadcast %parallel_loop3A_224 : i32 to vector<16xi32>
        %parallel_loop3A_226 = tpu.vector_load_idx %arg6[%broadcast_in_dim3A, %parallel_loop3A_225, %parallel_loop3A_207] : memref<4x4x4096xf32, #tpu.memory_space<vmem>>[vector<16xi32>, vector<16xi32>, vector<16xi32>], vector<16xf32>,
        %parallel_loop3A_227 = arith.constant 2 : i32
        %parallel_loop3A_228 = arith.index_cast %select_n3A_157 : i32 to index
        %parallel_loop3A_229 = arith.index_cast %parallel_loop3A_227 : i32 to index
        %parallel_loop3A_230 = arith.index_cast %parallel_loop3A_205 : i32 to index
        %parallel_loop3A_231 = tpu.vector_load %arg7[%parallel_loop3A_228, %parallel_loop3A_229, %parallel_loop3A_230] {strides = array<i32>} : memref<3x4x4096xf32, #tpu.memory_space<vmem>>, vector<16xf32>,
        tpu.vector_store %arg7[%parallel_loop3A_228, %parallel_loop3A_229, %parallel_loop3A_230], %parallel_loop3A_226 {strides = array<i32>} : memref<3x4x4096xf32, #tpu.memory_space<vmem>>, vector<16xf32>,
        %parallel_loop3A_232 = arith.constant 3 : i32
        %parallel_loop3A_233 = vector.broadcast %parallel_loop3A_232 : i32 to vector<16xi32>
        %parallel_loop3A_234 = tpu.vector_load_idx %arg6[%broadcast_in_dim3A, %parallel_loop3A_233, %parallel_loop3A_207] : memref<4x4x4096xf32, #tpu.memory_space<vmem>>[vector<16xi32>, vector<16xi32>, vector<16xi32>], vector<16xf32>,
        %parallel_loop3A_235 = arith.constant 3 : i32
        %parallel_loop3A_236 = arith.index_cast %select_n3A_157 : i32 to index
        %parallel_loop3A_237 = arith.index_cast %parallel_loop3A_235 : i32 to index
        %parallel_loop3A_238 = arith.index_cast %parallel_loop3A_205 : i32 to index
        %parallel_loop3A_239 = tpu.vector_load %arg7[%parallel_loop3A_236, %parallel_loop3A_237, %parallel_loop3A_238] {strides = array<i32>} : memref<3x4x4096xf32, #tpu.memory_space<vmem>>, vector<16xf32>,
        tpu.vector_store %arg7[%parallel_loop3A_236, %parallel_loop3A_237, %parallel_loop3A_238], %parallel_loop3A_234 {strides = array<i32>} : memref<3x4x4096xf32, #tpu.memory_space<vmem>>, vector<16xf32>,
      } {sc.loop_unroll_factor = 2 : i64, sc.parallel_access}
      %mul3A_179 = arith.constant 4 : i32
      %mul3A_180 = arith.muli %scan3A_132, %mul3A_179 : i32
      %add3A_181 = arith.addi %mul3A_2, %mul3A_180 : i32
      %dma_start3A_182 = arith.constant 0 : i32
      %dma_start3A_183 = arith.constant 0 : i32
      %dma_start3A_184 = tpu.memref_slice %arg7[%select_n3A_157, %dma_start3A_182, %dma_start3A_183] : memref<3x4x4096xf32, #tpu.memory_space<vmem>> -> memref<1x4x4096xf32, #tpu.memory_space<vmem>>
      %dma_start3A_185 = tpu.memref_squeeze %dma_start3A_184 : memref<1x4x4096xf32, #tpu.memory_space<vmem>> -> memref<4x4096xf32, #tpu.memory_space<vmem>>
      %dma_start3A_186 = arith.constant 0 : i32
      %dma_start3A_187 = tpu.memref_slice %arg4[%add3A_181, %dma_start3A_186] : memref<1024x4096xf32, #tpu.memory_space<hbm>> -> memref<4x4096xf32, #tpu.memory_space<hbm>>
      %dma_start3A_188 = tpu.memref_slice %arg9[%select_n3A_157] : memref<3x!tpu.dma_semaphore, #tpu.memory_space<semaphore_mem>> -> memref<1x!tpu.dma_semaphore, #tpu.memory_space<semaphore_mem>>
      %dma_start3A_189 = tpu.memref_squeeze %dma_start3A_188 : memref<1x!tpu.dma_semaphore, #tpu.memory_space<semaphore_mem>> -> memref<!tpu.dma_semaphore, #tpu.memory_space<semaphore_mem>>
      %dma_start3A_190 = arith.constant 0 : i32
      %dma_start3A_191 = tpu.memref_slice %arg4[%add3A_181, %dma_start3A_190] : memref<1024x4096xf32, #tpu.memory_space<hbm>> -> memref<4x4096xf32, #tpu.memory_space<hbm>>
      %dma_start3A_192 = arith.constant 0 : i32
      %dma_start3A_193 = arith.constant 0 : i32
      %dma_start3A_194 = tpu.memref_slice %arg7[%select_n3A_157, %dma_start3A_192, %dma_start3A_193] : memref<3x4x4096xf32, #tpu.memory_space<vmem>> -> memref<1x4x4096xf32, #tpu.memory_space<vmem>>
      %dma_start3A_195 = tpu.memref_squeeze %dma_start3A_194 : memref<1x4x4096xf32, #tpu.memory_space<vmem>> -> memref<4x4096xf32, #tpu.memory_space<vmem>>
      tpu.enqueue_dma source(%dma_start3A_195 : memref<4x4096xf32, #tpu.memory_space<vmem>>) target(%dma_start3A_191 : memref<4x4096xf32, #tpu.memory_space<hbm>>) target_semaphore(%dma_start3A_189 : memref<!tpu.dma_semaphore, #tpu.memory_space<semaphore_mem>>)
      %add3A_196 = arith.constant 4 : i32
      %add3A_197 = arith.addi %scan3A_132, %add3A_196 : i32
      %lt3A_198 = arith.constant 8 : i32
      %lt3A_199 = arith.cmpi slt, %add3A_197, %lt3A_198 : i32
      %convert_element_type3A_200 = arith.extui %lt3A_199 : i1 to i32
      %cond3A_201 = arith.constant 0 : i32
      %cond3A_202 = arith.cmpi ne, %convert_element_type3A_200, %cond3A_201 : i32
      scf.if %cond3A_202 {
        %add3A_203 = arith.constant 4 : i32
        %add3A_204 = arith.addi %scan3A_132, %add3A_203 : i32
        %mul3A_205 = arith.constant 4 : i32
        %mul3A_206 = arith.muli %add3A_204, %mul3A_205 : i32
        %add3A_207 = arith.addi %mul3A_2, %mul3A_206 : i32
        %dma_start3A_208 = arith.constant 0 : i32
        %dma_start3A_209 = arith.constant 0 : i32
        %dma_start3A_210 = tpu.memref_slice %arg6[%select_n3A_141, %dma_start3A_208, %dma_start3A_209] : memref<4x4x4096xf32, #tpu.memory_space<vmem>> -> memref<1x4x4096xf32, #tpu.memory_space<vmem>>
        %dma_start3A_211 = tpu.memref_squeeze %dma_start3A_210 : memref<1x4x4096xf32, #tpu.memory_space<vmem>> -> memref<4x4096xf32, #tpu.memory_space<vmem>>
        %dma_start3A_212 = arith.constant 0 : i32
        %dma_start3A_213 = tpu.memref_slice %arg2[%add3A_207, %dma_start3A_212] : memref<1024x4096xf32, #tpu.memory_space<hbm>> -> memref<4x4096xf32, #tpu.memory_space<hbm>>
        %dma_start3A_214 = tpu.memref_slice %arg8[%select_n3A_141] : memref<4x!tpu.dma_semaphore, #tpu.memory_space<semaphore_mem>> -> memref<1x!tpu.dma_semaphore, #tpu.memory_space<semaphore_mem>>
        %dma_start3A_215 = tpu.memref_squeeze %dma_start3A_214 : memref<1x!tpu.dma_semaphore, #tpu.memory_space<semaphore_mem>> -> memref<!tpu.dma_semaphore, #tpu.memory_space<semaphore_mem>>
        %dma_start3A_216 = arith.constant 0 : i32
        %dma_start3A_217 = arith.constant 0 : i32
        %dma_start3A_218 = tpu.memref_slice %arg6[%select_n3A_141, %dma_start3A_216, %dma_start3A_217] : memref<4x4x4096xf32, #tpu.memory_space<vmem>> -> memref<1x4x4096xf32, #tpu.memory_space<vmem>>
        %dma_start3A_219 = tpu.memref_squeeze %dma_start3A_218 : memref<1x4x4096xf32, #tpu.memory_space<vmem>> -> memref<4x4096xf32, #tpu.memory_space<vmem>>
        %dma_start3A_220 = arith.constant 0 : i32
        %dma_start3A_221 = tpu.memref_slice %arg2[%add3A_207, %dma_start3A_220] : memref<1024x4096xf32, #tpu.memory_space<hbm>> -> memref<4x4096xf32, #tpu.memory_space<hbm>>
        tpu.enqueue_dma source(%dma_start3A_221 : memref<4x4096xf32, #tpu.memory_space<hbm>>) target(%dma_start3A_219 : memref<4x4096xf32, #tpu.memory_space<vmem>>) target_semaphore(%dma_start3A_215 : memref<!tpu.dma_semaphore, #tpu.memory_space<semaphore_mem>>)
      } else {
      }
    }
    %scan3A_78 = arith.constant 8 : i32
    %add3A_79 = arith.constant 20 : i32
    %add3A_80 = arith.addi %mul3A_2, %add3A_79 : i32
    %dma_wait3A = arith.constant 2 : i32
    %dma_wait3A_81 = arith.constant 2 : i32
    %dma_wait3A_82 = arith.constant 0 : i32
    %dma_wait3A_83 = arith.constant 0 : i32
    %dma_wait3A_84 = tpu.memref_slice %arg7[%dma_wait3A, %dma_wait3A_82, %dma_wait3A_83] : memref<3x4x4096xf32, #tpu.memory_space<vmem>> -> memref<1x4x4096xf32, #tpu.memory_space<vmem>>
    %dma_wait3A_85 = tpu.memref_squeeze %dma_wait3A_84 : memref<1x4x4096xf32, #tpu.memory_space<vmem>> -> memref<4x4096xf32, #tpu.memory_space<vmem>>
    %dma_wait3A_86 = arith.constant 0 : i32
    %dma_wait3A_87 = tpu.memref_slice %arg4[%add3A_80, %dma_wait3A_86] : memref<1024x4096xf32, #tpu.memory_space<hbm>> -> memref<4x4096xf32, #tpu.memory_space<hbm>>
    %dma_wait3A_88 = tpu.memref_slice %arg9[%dma_wait3A_81] : memref<3x!tpu.dma_semaphore, #tpu.memory_space<semaphore_mem>> -> memref<1x!tpu.dma_semaphore, #tpu.memory_space<semaphore_mem>>
    %dma_wait3A_89 = tpu.memref_squeeze %dma_wait3A_88 : memref<1x!tpu.dma_semaphore, #tpu.memory_space<semaphore_mem>> -> memref<!tpu.dma_semaphore, #tpu.memory_space<semaphore_mem>>
    %dma_wait3A_90 = arith.constant 0 : i32
    %dma_wait3A_91 = tpu.memref_slice %arg4[%add3A_80, %dma_wait3A_90] : memref<1024x4096xf32, #tpu.memory_space<hbm>> -> memref<4x4096xf32, #tpu.memory_space<hbm>>
    %dma_wait3A_92 = arith.constant 0 : i32
    %dma_wait3A_93 = arith.constant 0 : i32
    %dma_wait3A_94 = tpu.memref_slice %arg7[%dma_wait3A, %dma_wait3A_92, %dma_wait3A_93] : memref<3x4x4096xf32, #tpu.memory_space<vmem>> -> memref<1x4x4096xf32, #tpu.memory_space<vmem>>
    %dma_wait3A_95 = tpu.memref_squeeze %dma_wait3A_94 : memref<1x4x4096xf32, #tpu.memory_space<vmem>> -> memref<4x4096xf32, #tpu.memory_space<vmem>>
    tpu.wait_dma2 semaphore(%dma_wait3A_89 : memref<!tpu.dma_semaphore, #tpu.memory_space<semaphore_mem>>) src(%dma_wait3A_95 : memref<4x4096xf32, #tpu.memory_space<vmem>>) dst(%dma_wait3A_91 : memref<4x4096xf32, #tpu.memory_space<hbm>>)
    %add3A_96 = arith.constant 24 : i32
    %add3A_97 = arith.addi %mul3A_2, %add3A_96 : i32
    %dma_wait3A_98 = arith.constant 0 : i32
    %dma_wait3A_99 = arith.constant 0 : i32
    %dma_wait3A_100 = arith.constant 0 : i32
    %dma_wait3A_101 = arith.constant 0 : i32
    %dma_wait3A_102 = tpu.memref_slice %arg7[%dma_wait3A_98, %dma_wait3A_100, %dma_wait3A_101] : memref<3x4x4096xf32, #tpu.memory_space<vmem>> -> memref<1x4x4096xf32, #tpu.memory_space<vmem>>
    %dma_wait3A_103 = tpu.memref_squeeze %dma_wait3A_102 : memref<1x4x4096xf32, #tpu.memory_space<vmem>> -> memref<4x4096xf32, #tpu.memory_space<vmem>>
    %dma_wait3A_104 = arith.constant 0 : i32
    %dma_wait3A_105 = tpu.memref_slice %arg4[%add3A_97, %dma_wait3A_104] : memref<1024x4096xf32, #tpu.memory_space<hbm>> -> memref<4x4096xf32, #tpu.memory_space<hbm>>
    %dma_wait3A_106 = tpu.memref_slice %arg9[%dma_wait3A_99] : memref<3x!tpu.dma_semaphore, #tpu.memory_space<semaphore_mem>> -> memref<1x!tpu.dma_semaphore, #tpu.memory_space<semaphore_mem>>
    %dma_wait3A_107 = tpu.memref_squeeze %dma_wait3A_106 : memref<1x!tpu.dma_semaphore, #tpu.memory_space<semaphore_mem>> -> memref<!tpu.dma_semaphore, #tpu.memory_space<semaphore_mem>>
    %dma_wait3A_108 = arith.constant 0 : i32
    %dma_wait3A_109 = tpu.memref_slice %arg4[%add3A_97, %dma_wait3A_108] : memref<1024x4096xf32, #tpu.memory_space<hbm>> -> memref<4x4096xf32, #tpu.memory_space<hbm>>
    %dma_wait3A_110 = arith.constant 0 : i32
    %dma_wait3A_111 = arith.constant 0 : i32
    %dma_wait3A_112 = tpu.memref_slice %arg7[%dma_wait3A_98, %dma_wait3A_110, %dma_wait3A_111] : memref<3x4x4096xf32, #tpu.memory_space<vmem>> -> memref<1x4x4096xf32, #tpu.memory_space<vmem>>
    %dma_wait3A_113 = tpu.memref_squeeze %dma_wait3A_112 : memref<1x4x4096xf32, #tpu.memory_space<vmem>> -> memref<4x4096xf32, #tpu.memory_space<vmem>>
    tpu.wait_dma2 semaphore(%dma_wait3A_107 : memref<!tpu.dma_semaphore, #tpu.memory_space<semaphore_mem>>) src(%dma_wait3A_113 : memref<4x4096xf32, #tpu.memory_space<vmem>>) dst(%dma_wait3A_109 : memref<4x4096xf32, #tpu.memory_space<hbm>>)
    %add3A_114 = arith.constant 28 : i32
    %add3A_115 = arith.addi %mul3A_2, %add3A_114 : i32
    %dma_wait3A_116 = arith.constant 1 : i32
    %dma_wait3A_117 = arith.constant 1 : i32
    %dma_wait3A_118 = arith.constant 0 : i32
    %dma_wait3A_119 = arith.constant 0 : i32
    %dma_wait3A_120 = tpu.memref_slice %arg7[%dma_wait3A_116, %dma_wait3A_118, %dma_wait3A_119] : memref<3x4x4096xf32, #tpu.memory_space<vmem>> -> memref<1x4x4096xf32, #tpu.memory_space<vmem>>
    %dma_wait3A_121 = tpu.memref_squeeze %dma_wait3A_120 : memref<1x4x4096xf32, #tpu.memory_space<vmem>> -> memref<4x4096xf32, #tpu.memory_space<vmem>>
    %dma_wait3A_122 = arith.constant 0 : i32
    %dma_wait3A_123 = tpu.memref_slice %arg4[%add3A_115, %dma_wait3A_122] : memref<1024x4096xf32, #tpu.memory_space<hbm>> -> memref<4x4096xf32, #tpu.memory_space<hbm>>
    %dma_wait3A_124 = tpu.memref_slice %arg9[%dma_wait3A_117] : memref<3x!tpu.dma_semaphore, #tpu.memory_space<semaphore_mem>> -> memref<1x!tpu.dma_semaphore, #tpu.memory_space<semaphore_mem>>
    %dma_wait3A_125 = tpu.memref_squeeze %dma_wait3A_124 : memref<1x!tpu.dma_semaphore, #tpu.memory_space<semaphore_mem>> -> memref<!tpu.dma_semaphore, #tpu.memory_space<semaphore_mem>>
    %dma_wait3A_126 = arith.constant 0 : i32
    %dma_wait3A_127 = tpu.memref_slice %arg4[%add3A_115, %dma_wait3A_126] : memref<1024x4096xf32, #tpu.memory_space<hbm>> -> memref<4x4096xf32, #tpu.memory_space<hbm>>
    %dma_wait3A_128 = arith.constant 0 : i32
    %dma_wait3A_129 = arith.constant 0 : i32
    %dma_wait3A_130 = tpu.memref_slice %arg7[%dma_wait3A_116, %dma_wait3A_128, %dma_wait3A_129] : memref<3x4x4096xf32, #tpu.memory_space<vmem>> -> memref<1x4x4096xf32, #tpu.memory_space<vmem>>
    %dma_wait3A_131 = tpu.memref_squeeze %dma_wait3A_130 : memref<1x4x4096xf32, #tpu.memory_space<vmem>> -> memref<4x4096xf32, #tpu.memory_space<vmem>>
    tpu.wait_dma2 semaphore(%dma_wait3A_125 : memref<!tpu.dma_semaphore, #tpu.memory_space<semaphore_mem>>) src(%dma_wait3A_131 : memref<4x4096xf32, #tpu.memory_space<vmem>>) dst(%dma_wait3A_127 : memref<4x4096xf32, #tpu.memory_space<hbm>>)
    return
  }
}

</mosaic_0001>

<sc_bundles>
// kernel: kernel.3.cloned.1.call-start
scs
__scs_entry_jumppad:
0x0: {  	(pc) =	sbr.rel $0x88, $3  }
0x1: {  	(tag) =	ssettag $0x0;
	lr =	simm.s32 $0x1  }
0x2: {  	[smem:$0x3FA0] =	sst lr;
	_ =	strace $0xD0000000  }
0x3: {  	_ = 	snop  }
0x4: {  	_ = 	snop  }
0x5: {  	_ = 	snop  }
0x6: {  	_ = 	snop  }
0x7: {  	_ = 	snop  }
__scs_overlays_trampoline_lowered:
0x8: {  	[smem:$0x3FAF] =	sst s0  }
0x9: {  	[smem:$0x3FB0] =	sst s1  }
0xa: {  	[smem:$0x3FB1] =	sst s2  }
0xb: {  	[smem:$0x3FB2] =	sst s3  }
0xc: {  	[smem:$0x3FB3] =	sst s4  }
0xd: {  	[smem:$0x3FB4] =	sst s5  }
0xe: {  	[smem:$0x3FB5] =	sst s6  }
0xf: {  	[smem:$0x3FB6] =	sst s7  }
0x10: {  	[smem:$0x3FB7] =	sst s8  }
0x11: {  	[smem:$0x3FB8] =	sst s9;
	s0 =	simm.s32 @!p0 $0x0  }
0x12: {  	s1 =	sld [smem:$0x3F9E];
	s0 =	simm.s32 @p0 $0x1  }
0x13: {  	[smem:$0x3FB9] =	sst s0;
	s0 =	simm.s32 @!p1 $0x0  }
0x14: {  	s2 =	sld [smem:$0x3F9D];
	s0 =	simm.s32 @p1 $0x1  }
0x15: {  	[smem:$0x3FBA] =	sst s0;
	s0 =	simm.s32 @!p2 $0x0  }
0x16: {  	s3 =	sld [smem:$0x3FDB];
	s0 =	simm.s32 @p2 $0x1  }
0x17: {  	s4 =	simm.s32 $0x1BF5;
	[smem:$0x3FBC] =	sst s0  }
0x18: {  	s0 =	sld [smem:$0x3F9F];
	_ =	swait.ge [sflag:s4], $0x0  }
0x19: {  	s7 =	sld [smem:$0x3FA0]  }
0x1a: {  	s8 =	sadd.s32 $0xFFFFE003, lr  }
0x1b: {  	s9 =	sadd.s32 $0xFFFFFEF7, lr;
	s5 =	simm.s32 $0xFFFFFFFF;
	p2 =	slt.u32 s8, $0xFFFFF086  }
0x1c: {  	p1 =	slt.u32 s9, $0xF7A;
	s5 =	simm.s32 @!p2 $0x0  }
0x1d: {  	s5 =	simm.s32 @p1 $0x1;
	p0 =	seq.s32 s7, s2  }
0x1e: {  	s7 =	smul.u32 @!p0 $0xF7A, s2;
	p2 =	seq.s32 @!p0 s5, $0x0  }
0x1f: {  	s9 =	smul.u32 $0xF7A, s1;
	s8 =	simm.s32 @!p0 $0x1BF5;
	p2 =	por !p2, p0  }
0x20: {  	[sflag:s8] =	ssyncset.s32 @!p0 $0xFFFFF086;
	s6 =	sadd.s32 @!p0 s3, s7;
	s7 =	simm.s32 @!p0 $0x108  }
0x21: {  	s3 =	sadd.s32 s3, s9;
	s6 =	sadd.s32 @!p0 $0x88, s6;
	s7 =	simm.s32 @p2 $0x1082  }
0x22: {  	[simem:s7], [sflag:s8] =	dma.local @!p0 [hbm:s6], $0xF7A  }
0x23: {  	s9 =	sor.u32 $0xD0000000, s2;
	s6 =	simm.s32 $0x108;
	_ =	swait.ge @!p0 [sflag:s8], $0x0  }
0x24: {  	s3 =	sadd.s32 $0x88, s3;
	s6 =	simm.s32 @!p1 $0x1082;
	[sflag:s4] =	ssyncset.s32 $0xFFFFF086  }
0x25: {  	[simem:s6], [sflag:s4] =	dma.local [hbm:s3], $0xF7A  }
0x26: {  	[smem:$0x3FA0] =	sst s1;
	(tag) =	ssettag s2;
	_ =	strace s9  }
0x27: {  	s1 =	sld [smem:$0x3FB0]  }
0x28: {  	s2 =	sld [smem:$0x3FB1]  }
0x29: {  	s4 =	sld [smem:$0x3FB3]  }
0x2a: {  	p0 =	seq.s32 s5, $0x0;
	s5 =	sld [smem:$0x3FB4]  }
0x2b: {  	s6 =	sld [smem:$0x3FB5]  }
0x2c: {  	s7 =	sld [smem:$0x3FB6]  }
0x2d: {  	s3 =	simm.s32 $0x108;
	s8 =	sld [smem:$0x3FB7]  }
0x2e: {  	s3 =	simm.s32 @!p0 $0x1082;
	s9 =	sld [smem:$0x3FB8]  }
0x2f: {  	lr =	sadd.s32 s0, s3;
	s0 =	sld [smem:$0x3FAF]  }
0x30: {  	s3 =	sld [smem:$0x3FB2]  }
0x31: {  	[smem:$0x3FBB] =	sst s10  }
0x32: {  	s10 =	sld [smem:$0x3FB9];
	_ =	sdelay $0x3  }
0x33: {  	p0 =	seq.s32 s10, $0x1;
	s10 =	sld [smem:$0x3FBB];
	_ =	sdelay $0x3  }
0x34: {  	[smem:$0x3FBB] =	sst s10  }
0x35: {  	s10 =	sld [smem:$0x3FBA];
	_ =	sdelay $0x3  }
0x36: {  	p1 =	seq.s32 s10, $0x1;
	s10 =	sld [smem:$0x3FBB];
	_ =	sdelay $0x3  }
0x37: {  	[smem:$0x3FBB] =	sst s10  }
0x38: {  	s10 =	sld [smem:$0x3FBC]  }
0x39: {  	_ = 	snop;
	(pc) =	sbr.ind lr, $3  }
0x3a: {  	_ = 	snop  }
0x3b: {  	_ = 	snop  }
0x3c: {  	p2 =	seq.s32 s10, $0x1;
	s10 =	sld [smem:$0x3FBB]  }
0x3d: {  	_ =	shalt  }
0x3e: {  	_ =	shalt  }
0x3f: {  	_ =	shalt  }
0x40: {  	_ =	shalt  }
0x41: {  	_ =	shalt  }
0x42: {  	_ =	shalt  }
0x43: {  	_ =	shalt  }
0x44: {  	_ =	shalt  }
0x45: {  	_ =	shalt  }
0x46: {  	_ =	shalt  }
0x47: {  	_ =	shalt  }
0x48: {  	_ =	shalt  }
0x49: {  	_ =	shalt  }
0x4a: {  	_ =	shalt  }
0x4b: {  	_ =	shalt  }
0x4c: {  	_ =	shalt  }
0x4d: {  	_ =	shalt  }
0x4e: {  	_ =	shalt  }
0x4f: {  	_ =	shalt  }
0x50: {  	_ =	shalt  }
0x51: {  	_ =	shalt  }
0x52: {  	_ =	shalt  }
0x53: {  	_ =	shalt  }
0x54: {  	_ =	shalt  }
0x55: {  	_ =	shalt  }
0x56: {  	_ =	shalt  }
0x57: {  	_ =	shalt  }
0x58: {  	_ =	shalt  }
0x59: {  	_ =	shalt  }
0x5a: {  	_ =	shalt  }
0x5b: {  	_ =	shalt  }
0x5c: {  	_ =	shalt  }
0x5d: {  	_ =	shalt  }
0x5e: {  	_ =	shalt  }
0x5f: {  	_ =	shalt  }
0x60: {  	_ =	shalt  }
0x61: {  	_ =	shalt  }
0x62: {  	_ =	shalt  }
0x63: {  	_ =	shalt  }
0x64: {  	_ =	shalt  }
0x65: {  	_ =	shalt  }
0x66: {  	_ =	shalt  }
0x67: {  	_ =	shalt  }
0x68: {  	_ =	shalt  }
0x69: {  	_ =	shalt  }
0x6a: {  	_ =	shalt  }
0x6b: {  	_ =	shalt  }
0x6c: {  	_ =	shalt  }
0x6d: {  	_ =	shalt  }
0x6e: {  	_ =	shalt  }
0x6f: {  	_ =	shalt  }
0x70: {  	_ =	shalt  }
0x71: {  	_ =	shalt  }
0x72: {  	_ =	shalt  }
0x73: {  	_ =	shalt  }
0x74: {  	_ =	shalt  }
0x75: {  	_ =	shalt  }
0x76: {  	_ =	shalt  }
0x77: {  	_ =	shalt  }
0x78: {  	_ =	shalt  }
0x79: {  	_ =	shalt  }
0x7a: {  	_ =	shalt  }
0x7b: {  	_ =	shalt  }
0x7c: {  	_ =	shalt  }
0x7d: {  	_ =	shalt  }
0x7e: {  	_ =	shalt  }
0x7f: {  	_ =	shalt  }
0x80: {  	_ =	shalt  }
0x81: {  	_ =	shalt  }
0x82: {  	_ =	shalt  }
0x83: {  	_ =	shalt  }
0x84: {  	_ =	shalt  }
0x85: {  	_ =	shalt  }
0x86: {  	_ =	shalt  }
0x87: {  	_ =	shalt  }
.Lfunc_end0:
.L_simem_size_0:
called_computation_lowered:
.L_overlay_start_0:
0x88: {  	s2 =	sld [smem:$0x3FD9]  }
0x89: {  	s3 =	sld [smem:$0x3FFE];
	_ =	sdelay $0x1  }
0x8a: {  	s1 =	srdreg.scid  }
0x8b: {  	s0 =	sand.u32 $0x1, s1  }
0x8c: {  	s17 =	sshll.u32 s0, $0xA;
	s2 =	sadd.s32 s3, s2  }
0x8d: {  	s2 =	sadd.s32 s2, s17  }
0x8e: {  	[smem:$0x3FC7] =	sst s2  }
0x8f: {  	_ = 	snop  }
0x90: {  	s2 =	sld [smem:$0x3FC9]  }
0x91: {  	s18 =	sld [smem:$0x3FD0];
	(tm) =	ssettm $0x1  }
0x92: {  	s4 =	sld [smem:$0x3FFB];
	_ =	sdelay $0x3  }
0x93: {  	_ =	strace s4  }
0x94: {  	s4 =	sld [smem:$0x3FFC];
	_ =	sdelay $0x3  }
0x95: {  	_ =	strace s4  }
0x96: {  	s4 =	sld [smem:$0x3FFD];
	_ =	sdelay $0x3  }
0x97: {  	_ =	strace s4  }
0x98: {  	_ =	strace $0x8FFFFFFF  }
0x99: {  	s19 =	sld [smem:$0x3FDB];
	_ =	sdelay $0x1  }
0x9a: {  	s5 =	simm.s32 $_scs_section_size  }
0x9b: {  	s6 =	simm.s32 $_size__tile_overlayer_lowered;
	s7 =	simm.s32 $_tile_overlayer_lowered  }
0x9c: {  	s22 =	simm.s32 $0x1BFF;
	s21 =	sshll.u32 s7, $0x1;
	s4 =	sadd.s32 s5, s19  }
0x9d: {  	s8 =	simm.s32 $0x0;
	s20 =	sshll.u32 s6, $0x1;
	s6 =	sadd.s32 s21, s4  }
0x9e: {  	[timem:s8], [sflag:s22] =	dma.local [hbm:s6], s20  }
0x9f: {  	_ =	swait.ge [sflag:s22], s20  }
0xa0: {  	s5 =	ssub.s32 $0x0, s20;
	[sflag:s22] =	ssyncset.done $0x0  }
0xa1: {  	[sflag:s22] =	ssyncadd.s32 s5;
	_ =	sdelay $0x1  }
0xa2: {  	s23 =	simm.s32 $0x1B8B  }
0xa3: {  	_ =	swait.ge [sflag:s23], $0x1  }
0xa4: {  	[sflag:s23] =	ssyncset.done $0x0  }
0xa5: {  	s25 =	simm.s32 $0x1B8E;
	s24 =	sld [smem:$0x3FFE];
	[sflag:s23] =	ssyncadd.s32 $0xFFFFFFFF  }
0xa6: {  	s26 =	simm.s32 $execute0_lowered;
	[smem:$0x3FD2] =	sst s25  }
0xa7: {  	s6 =	sshll.u32 s26, $0x1;
	_ =	strace $0x80000046;
	[dreg:$0x1] =	wrdreg $0xFFFFFFFF  }
0xa8: {  	s28 =	simm.s32 $_size_execute0_lowered;
	s4 =	sadd.s32 s4, s6;
	[dreg:$0x0] =	wrdreg $0x0  }
0xa9: {  	s6 =	sshll.u32 s28, $0x1;
	[dreg:$0x2] =	wrdreg s4  }
0xaa: {  	[dreg:$0x3] =	wrdreg s6  }
0xab: {  	[dreg:$0x4] =	wrdreg $0xC0  }
0xac: {  	_ =	task [dreg:s8], $0x5FFFF  }
0xad: {  	[dreg:$0x1] =	wrdreg $0xFFFFFFFF  }
0xae: {  	[dreg:$0x0] =	wrdreg $0x60  }
0xaf: {  	[dreg:$0x2] =	wrdreg s2  }
0xb0: {  	[dreg:$0x3] =	wrdreg s24  }
0xb1: {  	[dreg:$0x4] =	wrdreg s18  }
0xb2: {  	[dreg:$0x5] =	wrdreg $0x9  }
0xb3: {  	_ =	task.clear_ibuf [dreg:s8], $0x6FFFF;
	_ =	strace $0x90000046  }
0xb4: {  	s29 =	simm.s32 $0x9;
	_ =	strace $0x80000048  }
0xb5: {  	_ =	swait.ge [sflag:s29], $0x1  }
0xb6: {  	[sflag:s29] =	ssyncadd.s32 $0xFFFFFFFF  }
0xb7: {  	_ =	strace $0x90000048  }
0xb8: {  	_ =	sfence  }
0xb9: {  	s30 =	sld [smem:$0x0];
	_ =	sdelay $0x2  }
0xba: {  	s31 =	sshll.u32 s1, $0xD;
	s1 =	sshrl.u32 s1, $0x2  }
0xbb: {  	s3 =	sand.u32 $0x4000, s31;
	s1 =	sadd.s32 s1, s30  }
0xbc: {  	s0 =	sor.u32 s3, s0;
	s1 =	sshll.u32 s1, $0x11  }
0xbd: {  	s0 =	sor.u32 s1, s0  }
0xbe: {  	s0 =	sadd.s32 $0x8F2B, s0  }
0xbf: {  	[sflag:s0] =	ssyncadd.remote.s32 $0x1  }
0xc0: {  	_ =	sfence.sel $0xFFFF  }
0xc1: {  	[dreg:$0x0] =	wrdreg $0xFFFFFFFF;
	(pc) =	sbr.abs _section_cstart, $3  }
0xc2: {  	[dreg:$0x1] =	wrdreg $0xFFFFFFFF  }
0xc3: {  	_ =	task.clear_ibuf [dreg:s8], $0x2FFFF;
	_ =	strace $0x9FFFFFFF  }
0xc4: {  	(tm) =	ssettm $0x7FFFFFFF  }
0xc5: {  	_ =	shalt  }
tec
execute0_lowered:
.L_overlay_start_1:
0x0: {  	(tag) =	ssettag $0x1  }
0x1: {  	s1 =	rddreg [dreg:$0x0]  }
0x2: {  	s0 =	rddreg [dreg:$0x1];
	s2 =	srdreg.scid  }
0x3: {  	s3 =	stileid.u32;
	s6 =	simm.s32 $0x0;
	s2 =	sand.u32 $0x1, s2  }
0x4: {  	s14 =	simm.s32 $0x400;
	s4 =	sshll.u32 s3, $0xF;
	s5 =	sshll.u32 s2, $0xE  }
0x5: {  	[smem:$0x7FF] =	sst s6;
	s0 =	sadd.s32 $0x400, s0;
	s5 =	sor.u32 s5, s4  }
0x6: {  	_ =	strace $0x80000047;
	[dreg:$0x5] =	wrdreg s0;
	s1 =	sadd.s32 s1, s5  }
0x7: {  	s2 =	ssub.s32 $0x2, s2;
	s30 =	sadd.s32 $0x40, s1;
	[dreg:$0x4] =	wrdreg s1  }
0x8: {  	s28 =	sshrl.u32 s2, $0x1;
	s31 =	sadd.s32 $0x1000, s1;
	[dreg:$0x6] =	wrdreg s30  }
0x9: {  	s29 =	ssub.s32 s2, s28;
	s1 =	sadd.s32 $0x1040, s1;
	[dreg:$0x7] =	wrdreg s31  }
0xa: {  	s15 =	simm.s32 $0x1000;
	s0 =	smax.u32 s29, $0x1;
	[dreg:$0x8] =	wrdreg s1  }
0xb: {  	s12 =	sor.u32 $0x2000, s5;
	s2 =	simm.s32 $0x0;
	[dreg:$0x9] =	wrdreg s0  }
.LBB2_1:
0xc: {  	[dreg:$0xa] =	wrdreg s2  }
0xd: {  	s0 =	simm.s32 $0x0;
	s1 =	rddreg [dreg:$0x5]  }
0xe: {  	[tilespmem:s0], [sflag:$0x8] =	stream.linear.gather [hbm4b:s1+s0], $0x1000, $0x38;
	[tilespmem:$0x1D000] =	vst v63  }
0xf: {  	s22 =	rddreg [dreg:$0x4];
	s23 =	simm.s32 $0x200  }
0x10: {  	[tilespmem:s15], [sflag:$0x1] =	stream.strided.gather [hbm4b:s22+s23], $0x4000, s14, s23, $0x38;
	[tilespmem:$0x1D000] =	vst v63  }
0x11: {  	s24 =	rddreg [dreg:$0x6];
	s25 =	simm.s32 $0x5000  }
0x12: {  	[tilespmem:s25], [sflag:$0x2] =	stream.strided.gather [hbm4b:s24+s23], $0x4000, s14, s23, $0x38;
	[tilespmem:$0x1D000] =	vst v63  }
0x13: {  	s26 =	rddreg [dreg:$0x7];
	s28 =	simm.s32 $0x9000  }
0x14: {  	[tilespmem:s28], [sflag:$0x3] =	stream.strided.gather [hbm4b:s26+s23], $0x4000, s14, s23, $0x38;
	[tilespmem:$0x1D000] =	vst v63  }
0x15: {  	s29 =	rddreg [dreg:$0x8];
	s30 =	simm.s32 $0xD000;
	s31 =	simm.s32 $0x8  }
0x16: {  	[tilespmem:s30], [sflag:$0x4] =	stream.strided.gather [hbm4b:s29+s23], $0x4000, s14, s23, $0x38;
	[tilespmem:$0x1D000] =	vst v63  }
0x17: {  	_ =	swait.ge [sflag:s31], $0x1000  }
0x18: {  	[sflag:s31] =	ssyncset.done $0x0  }
0x19: {  	s24 =	simm.s32 $0x0;
	[sflag:s31] =	ssyncadd.s32 $0xFFFFF000  }
.LBB2_2:
0x1a: {  	s0 =	smul.u32 $0xAB, s24;
	_ =	sdelay $0x1  }
0x1b: {  	s0 =	sshrl.u32 s0, $0x9  }
0x1c: {  	s0 =	sand.u32 $0x7F, s0  }
0x1d: {  	s2 =	sand.u32 $0x3, s24;
	s0 =	smul.u32 $0x3, s0  }
0x1e: {  	s25 =	sadd.s32 $0x1, s2  }
0x1f: {  	_ =	swait.ge [sflag:s25], $0x4000;
	s0 =	ssub.s32 s24, s0  }
0x20: {  	p0 =	slt.u32 s24, $0x3;
	[sflag:s25] =	ssyncset.done $0x0;
	s26 =	sand.u32 $0xFF, s0  }
0x21: {  	s7 =	simm.s32 $0x0;
	[sflag:s25] =	ssyncadd.s32 $0xFFFFC000;
	s0 =	sadd.s32 @!p0 $0x5, s26  }
0x22: {  	s9 =	simm.s32 $0x20;
	s6 =	sand.u32 $0x60, s7;
	_ =	swait.ge @!p0 [sflag:s0], $0x4000  }
0x23: {  	s4 =	sand.u32 $0xF80, s7;
	s8 =	sor.u32 $0x10, s6;
	[sflag:s0] =	ssyncset.done @!p0 $0x0  }
0x24: {  	s18 =	sor.u32 s8, s4;
	s4 =	sand.u32 $0x60, s9;
	[sflag:s0] =	ssyncadd.s32 @!p0 $0xFFFFC000  }
0x25: {  	s19 =	sand.u32 $0xF80, s9;
	s20 =	sor.u32 $0x10, s4;
	v1 =	vld [tilespmem:s18+$0x0]  }
0x26: {  	s0 =	sor.u32 s20, s19  }
0x27: {  	v2 =	vld [tilespmem:s0+$0x0];
	_ =	sdelay $0x2  }
0x28: {  	s0 =	sshll.u32 s2, $0xE;
	v3 =	vshll.u32 v1, $0x2  }
0x29: {  	v0 =	vmov s0;
	v3 =	vand.u32 $0xFFFFFE00, v3  }
0x2a: {  	s10 =	simm.s32 $0x40;
	v1 =	vand.u32 $0x7F, v1;
	v4 =	vshll.u32 v2, $0x2;
	v3 =	vadd.s32 v0, v3  }
0x2b: {  	s2 =	sand.u32 $0x60, s10;
	v1 =	vor.u32 v1, v3;
	v3 =	vand.u32 $0xFFFFFE00, v4  }
0x2c: {  	s10 =	sand.u32 $0xF80, s10;
	s17 =	sor.u32 $0x10, s2;
	v2 =	vand.u32 $0x7F, v2;
	v3 =	vadd.s32 v0, v3  }
0x2d: {  	s10 =	sor.u32 s17, s10;
	v2 =	vor.u32 v2, v3  }
0x2e: {  	v3 =	vld [tilespmem:s10+$0x0];
	_ =	sdelay $0x1  }
0x2f: {  	s21 =	simm.s32 $0x0;
	v4 =	vld.idx.msk [tilespmem:v1+s15+$0x0], $0xffff  }
0x30: {  	s11 =	sshll.u32 s26, $0xE;
	v6 =	vld [tilespmem:s21+$0x0];
	v5 =	vor.u32 $0x80, v1  }
0x31: {  	s7 =	sand.u32 $0x3E00, s7;
	s28 =	sadd.s32 $0x11000, s11;
	v7 =	vld.idx.msk [tilespmem:v2+s15+$0x0], $0xffff  }
0x32: {  	s22 =	simm.s32 $0x60;
	s23 =	simm.s32 $0x80;
	s18 =	sadd.s32 s7, s28;
	v9 =	vor.u32 $0x80, v2;
	v8 =	vshll.u32 v3, $0x2  }
0x33: {  	s16 =	sand.u32 $0x3E00, s23;
	s11 =	sadd.s32 s8, s18;
	s8 =	sand.u32 $0x60, s22;
	v8 =	vand.u32 $0xFFFFFE00, v8  }
0x34: {  	s19 =	sand.u32 $0xF80, s22;
	s7 =	sadd.s32 s16, s28;
	s10 =	sor.u32 $0x10, s8;
	v3 =	vand.u32 $0x7F, v3;
	[tilespmem:s11+$0x0] =	vst v4;
	v4 =	vadd.s32 v0, v8  }
0x35: {  	s16 =	sadd.s32 s20, s7;
	s19 =	sor.u32 s10, s19;
	v8 =	vshll.u32 v6, $0x2;
	v5 =	vld.idx.msk [tilespmem:v5+s15+$0x0], $0xffff;
	v4 =	vor.u32 v3, v4  }
0x36: {  	v3 =	vand.u32 $0xFFFFFE00, v8;
	v8 =	vld [tilespmem:s19+$0x0];
	[tilespmem:s16+$0x0] =	vst v7  }
0x37: {  	s1 =	simm.s32 $0x20;
	v6 =	vand.u32 $0x7F, v6;
	v7 =	vor.u32 $0x100, v1;
	v3 =	vadd.s32 v0, v3;
	v9 =	vld.idx.msk [tilespmem:v9+s15+$0x0], $0xffff  }
0x38: {  	v6 =	vor.u32 v6, v3;
	v3 =	vld [tilespmem:s1+$0x0]  }
0x39: {  	v10 =	vor.u32 $0x100, v2  }
0x3a: {  	v11 =	vld.idx.msk [tilespmem:v4+s15+$0x0], $0xffff  }
0x3b: {  	s3 =	simm.s32 $0x80;
	s20 =	simm.s32 $0x100;
	v12 =	vor.u32 $0x80, v4;
	[tilespmem:s11+$0x80] =	vst v5;
	v5 =	vshll.u32 v8, $0x2  }
0x3c: {  	s9 =	sand.u32 $0x60, s3;
	s20 =	sand.u32 $0x3E00, s20;
	v1 =	vor.u32 $0x180, v1;
	v7 =	vld.idx.msk [tilespmem:v7+s15+$0x0], $0xffff;
	v5 =	vand.u32 $0xFFFFFE00, v5  }
0x3d: {  	s31 =	sor.u32 $0x10, s9;
	s20 =	sadd.s32 s20, s28;
	s19 =	sand.u32 $0xF80, s3;
	v8 =	vand.u32 $0x7F, v8;
	v13 =	vld.idx.msk [tilespmem:v6+s15+$0x0], $0xffff;
	v14 =	vshll.u32 v3, $0x2;
	[tilespmem:s16+$0x80] =	vst v9;
	v5 =	vadd.s32 v0, v5  }
0x3e: {  	s21 =	sor.u32 s31, s19;
	s19 =	sadd.s32 s17, s20;
	v9 =	vand.u32 $0xFFFFFE00, v14;
	v10 =	vld.idx.msk [tilespmem:v10+s15+$0x0], $0xffff;
	v5 =	vor.u32 v8, v5  }
0x3f: {  	v3 =	vand.u32 $0x7F, v3;
	v8 =	vor.u32 $0x80, v6;
	v14 =	vld [tilespmem:s21+$0x0];
	v9 =	vadd.s32 v0, v9;
	[tilespmem:s19+$0x0] =	vst v11  }
0x40: {  	s13 =	simm.s32 $0x40;
	v17 =	vor.u32 v3, v9;
	v3 =	vld.idx.msk [tilespmem:v12+s15+$0x0], $0xffff  }
0x41: {  	v2 =	vor.u32 $0x180, v2;
	[tilespmem:s11+$0x100] =	vst v7;
	v7 =	vld [tilespmem:s13+$0x0]  }
0x42: {  	s29 =	sadd.s32 s6, s18;
	v9 =	vor.u32 $0x100, v4;
	v1 =	vld.idx.msk [tilespmem:v1+s15+$0x0], $0xffff  }
0x43: {  	[tilespmem:s29+$0x0] =	vst v13;
	v11 =	vld.idx.msk [tilespmem:v5+s15+$0x0], $0xffff  }
0x44: {  	s18 =	simm.s32 $0xA0;
	s21 =	simm.s32 $0x180;
	v13 =	vor.u32 $0x80, v5;
	v8 =	vld.idx.msk [tilespmem:v8+s15+$0x0], $0xffff;
	v12 =	vshll.u32 v14, $0x2  }
0x45: {  	s30 =	sand.u32 $0x60, s18;
	s17 =	sand.u32 $0x3E00, s21;
	v15 =	vor.u32 $0x80, v17;
	[tilespmem:s16+$0x100] =	vst v10;
	v12 =	vand.u32 $0xFFFFFE00, v12;
	v10 =	vld.idx.msk [tilespmem:v17+s15+$0x0], $0xffff  }
0x46: {  	s22 =	sand.u32 $0xF80, s18;
	s6 =	sor.u32 $0x10, s30;
	s21 =	sadd.s32 s17, s28;
	v2 =	vld.idx.msk [tilespmem:v2+s15+$0x0], $0xffff;
	v12 =	vadd.s32 v0, v12;
	v16 =	vshll.u32 v7, $0x2;
	[tilespmem:s19+$0x80] =	vst v3;
	v3 =	vand.u32 $0x7F, v14  }
0x47: {  	s23 =	sor.u32 s6, s22;
	s18 =	sadd.s32 s10, s21;
	v14 =	vand.u32 $0xFFFFFE00, v16;
	v9 =	vld.idx.msk [tilespmem:v9+s15+$0x0], $0xffff;
	v3 =	vor.u32 v3, v12  }
0x48: {  	v4 =	vor.u32 $0x180, v4;
	v7 =	vand.u32 $0x7F, v7;
	v12 =	vadd.s32 v0, v14;
	v14 =	vld [tilespmem:s23+$0x0];
	[tilespmem:s18+$0x0] =	vst v11  }
0x49: {  	s1 =	simm.s32 $0x60;
	s17 =	sadd.s32 s4, s7;
	v18 =	vor.u32 v7, v12;
	v7 =	vld.idx.msk [tilespmem:v13+s15+$0x0], $0xffff  }
0x4a: {  	v11 =	vor.u32 $0x100, v6;
	v12 =	vld [tilespmem:s1+$0x0];
	[tilespmem:s17+$0x0] =	vst v10  }
0x4b: {  	v10 =	vor.u32 $0x100, v5;
	v13 =	vld.idx.msk [tilespmem:v15+s15+$0x0], $0xffff  }
0x4c: {  	v15 =	vld.idx.msk [tilespmem:v3+s15+$0x0], $0xffff;
	[tilespmem:s19+$0x100] =	vst v9  }
0x4d: {  	s3 =	simm.s32 $0xC0;
	v19 =	vld.idx.msk [tilespmem:v4+s15+$0x0], $0xffff;
	v4 =	vshll.u32 v14, $0x2  }
0x4e: {  	s7 =	sand.u32 $0x60, s3;
	s13 =	simm.s32 $0x200;
	[tilespmem:s29+$0x80] =	vst v8;
	v8 =	vor.u32 $0x80, v18;
	v9 =	vor.u32 $0x80, v3;
	v20 =	vld.idx.msk [tilespmem:v18+s15+$0x0], $0xffff;
	v4 =	vand.u32 $0xFFFFFE00, v4  }
0x4f: {  	s4 =	sand.u32 $0xF80, s3;
	s10 =	sor.u32 $0x10, s7;
	s22 =	sand.u32 $0x3E00, s13;
	v21 =	vld.idx.msk [tilespmem:v11+s15+$0x0], $0xffff;
	v16 =	vshll.u32 v12, $0x2;
	[tilespmem:s18+$0x80] =	vst v7;
	v7 =	vand.u32 $0x7F, v14;
	v4 =	vadd.s32 v0, v4  }
0x50: {  	s4 =	sor.u32 s10, s4;
	s22 =	sadd.s32 s22, s28;
	[tilespmem:s11+$0x180] =	vst v1;
	v1 =	vand.u32 $0xFFFFFE00, v16;
	v14 =	vld.idx.msk [tilespmem:v10+s15+$0x0], $0xffff;
	v7 =	vor.u32 v7, v4  }
0x51: {  	v22 =	vor.u32 $0x180, v5;
	s11 =	sadd.s32 s31, s22;
	[tilespmem:s16+$0x180] =	vst v2;
	s16 =	simm.s32 $0x80;
	v11 =	vld [tilespmem:s4+$0x0];
	v4 =	vand.u32 $0x7F, v12;
	v1 =	vadd.s32 v0, v1  }
0x52: {  	s2 =	sadd.s32 s2, s20;
	v16 =	vld [tilespmem:s16+$0x0];
	[tilespmem:s11+$0x0] =	vst v15;
	v23 =	vor.u32 v4, v1  }
0x53: {  	v2 =	vor.u32 $0x180, v18;
	v12 =	vor.u32 $0x100, v17;
	v15 =	vld.idx.msk [tilespmem:v9+s15+$0x0], $0xffff;
	[tilespmem:s2+$0x0] =	vst v20  }
0x54: {  	s0 =	sor.u32 $0x1000, s0;
	s31 =	sshll.u32 s24, $0xB;
	[tilespmem:s17+$0x80] =	vst v13;
	v4 =	vor.u32 $0x100, v18;
	v18 =	vor.u32 $0x100, v3;
	v9 =	vor.u32 $0x180, v6;
	v6 =	vld.idx.msk [tilespmem:v8+s15+$0x0], $0xffff  }
0x55: {  	s8 =	sadd.s32 s8, s21;
	s21 =	simm.s32 $0xE0;
	s20 =	sand.u32 $0x3000, s31;
	v10 =	vor.u32 $0x180, v17;
	[tilespmem:s18+$0x100] =	vst v14;
	v17 =	vld.idx.msk [tilespmem:v7+s15+$0x0], $0xffff  }
0x56: {  	s9 =	sadd.s32 s9, s22;
	s23 =	sshll.u32 s24, $0x6;
	s4 =	sor.u32 s20, s5;
	v5 =	vor.u32 $0x80, v23;
	v1 =	vor.u32 $0x180, v23;
	[tilespmem:s19+$0x180] =	vst v19;
	v14 =	vld.idx.msk [tilespmem:v22+s15+$0x0], $0xffff  }
0x57: {  	s20 =	simm.s32 $0xC;
	s16 =	sand.u32 $0x40, s23;
	[tilespmem:s29+$0x100] =	vst v21;
	v19 =	vor.u32 $0x80, v7;
	s19 =	simm.s32 $0x280;
	v20 =	vshll.u32 v11, $0x2;
	v8 =	vor.u32 $0x100, v23;
	v13 =	vld.idx.msk [tilespmem:v23+s15+$0x0], $0xffff  }
.LBB2_3:
0x58: {  	s22 =	sand.u32 $0x60, s21;
	s23 =	sand.u32 $0xF80, s21;
	v20 =	vand.u32 $0xFFFFFE00, v20;
	s1 =	sand.u32 $0x3E00, s19;
	v21 =	vand.u32 $0x7F, v16;
	v16 =	vshll.u32 v16, $0x2;
	[tilespmem:s11+$0x80] =	vst v15;
	v22 =	vld.idx.msk [tilespmem:v12+s15+$0x0], $0xffff;
	v12 =	vmovc v4;
	v4 =	vmovc v8  }
0x59: {  	s20 =	sadd.s32 $0x2, s20;
	v8 =	vand.u32 $0x7F, v11;
	s3 =	sor.u32 $0x10, s22;
	v11 =	vadd.s32 v0, v20;
	s1 =	sadd.s32 s1, s28;
	v15 =	vand.u32 $0xFFFFFE00, v16;
	v20 =	vld.idx.msk [tilespmem:v18+s15+$0x0], $0xffff  }
0x5a: {  	p0 =	slt.u32 s20, $0xFE;
	s23 =	sor.u32 s3, s23;
	v23 =	vor.u32 v8, v11;
	s13 =	sadd.s32 s6, s1;
	v8 =	vadd.s32 v0, v15;
	[tilespmem:s2+$0x80] =	vst v6;
	v24 =	vld.idx.msk [tilespmem:v9+s15+$0x0], $0xffff;
	v9 =	vmov v10  }
0x5b: {  	v25 =	vor.u32 $0x180, v3;
	v3 =	vmovc v7;
	s1 =	sadd.s32 s30, s1;
	v10 =	vmovc v2;
	s30 =	smov.u32 s7;
	v11 =	vld [tilespmem:s23+$0x0];
	s23 =	sshra.s32 s19, $0x2;
	[tilespmem:s13+$0x0] =	vst v17;
	v21 =	vor.u32 v21, v8;
	v7 =	vmov v23  }
0x5c: {  	v2 =	vmovc v1;
	s7 =	smov.u32 s22;
	s6 =	smov.u32 s10;
	s10 =	smov.u32 s3;
	v15 =	vld.idx.msk [tilespmem:v19+s15+$0x0], $0xffff;
	v17 =	vor.u32 $0x80, v21;
	v8 =	vor.u32 $0x100, v21;
	[tilespmem:s18+$0x180] =	vst v14;
	v1 =	vor.u32 $0x180, v21  }
.Ltmp0:
0x5d: {  	s18 =	smov.u32 s11;
	s11 =	smov.u32 s13;
	v16 =	vld [tilespmem:s23+$0x0];
	[tilespmem:s8+$0x0] =	vst v13;
	(pc) =	sbr.rel @p0 .LBB2_3-.Ltmp0, $4  }
0x5e: {  	v18 =	vor.u32 $0x100, v3;
	s3 =	smov.u32 s9;
	s9 =	smov.u32 s1;
	v6 =	vld.idx.msk [tilespmem:v5+s15+$0x0], $0xffff;
	[tilespmem:s17+$0x100] =	vst v22;
	v5 =	vmov v17  }
0x5f: {  	v17 =	vld.idx.msk [tilespmem:v23+s15+$0x0], $0xffff;
	[tilespmem:s18+$0x100] =	vst v20  }
0x60: {  	v14 =	vld.idx.msk [tilespmem:v25+s15+$0x0], $0xffff;
	[tilespmem:s29+$0x180] =	vst v24;
	s29 =	smov.u32 s17;
	s17 =	smov.u32 s2;
	s2 =	smov.u32 s8  }
0x61: {  	s21 =	sadd.s32 $0x20, s21;
	s19 =	sadd.s32 $0x80, s19;
	v19 =	vor.u32 $0x80, v7;
	v20 =	vshll.u32 v11, $0x2;
	s8 =	smov.u32 s3;
	v13 =	vld.idx.msk [tilespmem:v21+s15+$0x0], $0xffff  }
0x62: {  	_ =	sdelay $0x1  }
0x63: {  	s1 =	sand.u32 $0x3E00, s19;
	s23 =	sshra.s32 s19, $0x2  }
0x64: {  	s13 =	sadd.s32 $0x80, s19;
	[tilespmem:s11+$0x80] =	vst v15;
	s1 =	sadd.s32 s1, s28;
	v21 =	vld [tilespmem:s23+$0x0]  }
0x65: {  	s20 =	sshra.s32 s13, $0x2;
	v15 =	vld.idx.msk [tilespmem:v18+s15+$0x0], $0xffff;
	s3 =	sadd.s32 s6, s1  }
0x66: {  	v22 =	vld [tilespmem:s20+$0x0];
	[tilespmem:s3+$0x0] =	vst v17  }
0x67: {  	v17 =	vld.idx.msk [tilespmem:v19+s15+$0x0], $0xffff  }
0x68: {  	v36 =	vor.u32 $0x100, v7;
	v37 =	vand.u32 $0xFFFFFE00, v20;
	v12 =	vld.idx.msk [tilespmem:v12+s15+$0x0], $0xffff;
	v39 =	vshll.u32 v16, $0x2  }
0x69: {  	v38 =	vand.u32 $0x7F, v16;
	v11 =	vand.u32 $0x7F, v11;
	v16 =	vand.u32 $0xFFFFFE00, v39  }
0x6a: {  	v18 =	vadd.s32 v0, v37;
	v16 =	vadd.s32 v0, v16;
	v41 =	vshll.u32 v21, $0x2  }
0x6b: {  	v11 =	vor.u32 v11, v18;
	v16 =	vor.u32 v38, v16;
	[tilespmem:s11+$0x100] =	vst v15;
	v42 =	vand.u32 $0xFFFFFE00, v41  }
0x6c: {  	v44 =	vand.u32 $0x7F, v21;
	v43 =	vshll.u32 v22, $0x2;
	v15 =	vadd.s32 v0, v42;
	[tilespmem:s3+$0x80] =	vst v17  }
0x6d: {  	[tilespmem:s17+$0x100] =	vst v12;
	v17 =	vand.u32 $0xFFFFFE00, v43;
	v12 =	vor.u32 v44, v15;
	v19 =	vld.idx.msk [tilespmem:v36+s15+$0x0], $0xffff  }
0x6e: {  	v40 =	vor.u32 $0x180, v7;
	v9 =	vld.idx.msk [tilespmem:v9+s15+$0x0], $0xffff;
	v45 =	vand.u32 $0x7F, v22;
	v46 =	vadd.s32 v0, v17  }
0x6f: {  	[tilespmem:s2+$0x80] =	vst v6;
	v10 =	vld.idx.msk [tilespmem:v10+s15+$0x0], $0xffff;
	v0 =	vor.u32 v45, v46  }
0x70: {  	[tilespmem:s18+$0x180] =	vst v14;
	v47 =	vld.idx.msk [tilespmem:v11+s15+$0x0], $0xffff  }
0x71: {  	v3 =	vor.u32 $0x180, v3;
	[tilespmem:s8+$0x0] =	vst v13;
	v49 =	vld.idx.msk [tilespmem:v16+s15+$0x0], $0xffff  }
0x72: {  	s21 =	sand.u32 $0x3E00, s13;
	v48 =	vor.u32 $0x80, v11;
	v51 =	vld.idx.msk [tilespmem:v12+s15+$0x0], $0xffff;
	[tilespmem:s3+$0x100] =	vst v19  }
0x73: {  	s6 =	sadd.s32 s21, s28;
	v50 =	vor.u32 $0x80, v16;
	[tilespmem:s29+$0x180] =	vst v9;
	v7 =	vld.idx.msk [tilespmem:v40+s15+$0x0], $0xffff  }
0x74: {  	s22 =	sadd.s32 s10, s6;
	v52 =	vor.u32 $0x80, v12;
	[tilespmem:s17+$0x180] =	vst v10;
	v53 =	vld.idx.msk [tilespmem:v0+s15+$0x0], $0xffff  }
0x75: {  	v5 =	vld.idx.msk [tilespmem:v5+s15+$0x0], $0xffff;
	[tilespmem:s22+$0x0] =	vst v47;
	v54 =	vor.u32 $0x80, v0  }
0x76: {  	s1 =	sadd.s32 s30, s1;
	v3 =	vld.idx.msk [tilespmem:v3+s15+$0x0], $0xffff;
	[tilespmem:s9+$0x0] =	vst v49  }
0x77: {  	v9 =	vld.idx.msk [tilespmem:v48+s15+$0x0], $0xffff;
	[tilespmem:s1+$0x0] =	vst v51  }
0x78: {  	v55 =	vor.u32 $0x100, v11;
	s6 =	sadd.s32 s7, s6;
	v10 =	vld.idx.msk [tilespmem:v50+s15+$0x0], $0xffff;
	[tilespmem:s3+$0x180] =	vst v7  }
0x79: {  	v56 =	vor.u32 $0x100, v16;
	v7 =	vld.idx.msk [tilespmem:v52+s15+$0x0], $0xffff;
	[tilespmem:s6+$0x0] =	vst v53  }
0x7a: {  	v57 =	vor.u32 $0x100, v12;
	[tilespmem:s8+$0x80] =	vst v5;
	v14 =	vld.idx.msk [tilespmem:v54+s15+$0x0], $0xffff  }
0x7b: {  	v4 =	vld.idx.msk [tilespmem:v4+s15+$0x0], $0xffff;
	[tilespmem:s11+$0x180] =	vst v3;
	v58 =	vor.u32 $0x100, v0  }
0x7c: {  	v5 =	vld.idx.msk [tilespmem:v8+s15+$0x0], $0xffff;
	[tilespmem:s22+$0x80] =	vst v9  }
0x7d: {  	v3 =	vld.idx.msk [tilespmem:v55+s15+$0x0], $0xffff;
	[tilespmem:s9+$0x80] =	vst v10  }
0x7e: {  	v59 =	vor.u32 $0x180, v11;
	v10 =	vld.idx.msk [tilespmem:v56+s15+$0x0], $0xffff;
	[tilespmem:s1+$0x80] =	vst v7  }
0x7f: {  	v60 =	vor.u32 $0x180, v16;
	v6 =	vld.idx.msk [tilespmem:v57+s15+$0x0], $0xffff;
	[tilespmem:s6+$0x80] =	vst v14  }
0x80: {  	[tilespmem:s2+$0x100] =	vst v4;
	v61 =	vor.u32 $0x180, v12;
	v62 =	vld.idx.msk [tilespmem:v58+s15+$0x0], $0xffff  }
0x81: {  	v2 =	vld.idx.msk [tilespmem:v2+s15+$0x0], $0xffff;
	v0 =	vor.u32 $0x180, v0;
	[tilespmem:s8+$0x100] =	vst v5  }
0x82: {  	v1 =	vld.idx.msk [tilespmem:v1+s15+$0x0], $0xffff;
	[tilespmem:s22+$0x100] =	vst v3  }
0x83: {  	v3 =	vld.idx.msk [tilespmem:v59+s15+$0x0], $0xffff;
	[tilespmem:s9+$0x100] =	vst v10  }
0x84: {  	v63 =	vld.idx.msk [tilespmem:v60+s15+$0x0], $0xffff;
	[tilespmem:s1+$0x100] =	vst v6  }
0x85: {  	v6 =	vld.idx.msk [tilespmem:v61+s15+$0x0], $0xffff;
	[tilespmem:s6+$0x100] =	vst v62  }
0x86: {  	[tilespmem:s2+$0x180] =	vst v2;
	v0 =	vld.idx.msk [tilespmem:v0+s15+$0x0], $0xffff  }
0x87: {  	[tilespmem:s8+$0x180] =	vst v1  }
0x88: {  	[tilespmem:s22+$0x180] =	vst v3  }
0x89: {  	s23 =	rddreg [dreg:$0x2];
	[tilespmem:s9+$0x180] =	vst v63  }
0x8a: {  	p0 =	sgt.u32 s24, $0x3;
	[tilespmem:s1+$0x180] =	vst v6;
	s1 =	sadd.s32 s23, s16  }
0x8b: {  	s30 =	simm.s32 $0x200;
	s29 =	sadd.s32 $0x5, s26;
	[tilespmem:s6+$0x180] =	vst v0;
	s1 =	sadd.s32 s4, s1  }
0x8c: {  	[hbm4b:s1+s30] =	stream.strided.scatter [tilespmem:s28], [sflag:s29], $0x4000, s14, s30, $0x38;
	[tilespmem:$0x1D000] =	vst v63  }
0x8d: {  	s2 =	rddreg [dreg:$0x0];
	s1 =	sand.u32 @!p0 $0x1000, s31  }
0x8e: {  	s24 =	sadd.s32 $0x1, s24;
	s2 =	sadd.s32 @!p0 s2, s16;
	s1 =	sor.u32 @!p0 s12, s1  }
0x8f: {  	s3 =	simm.s32 @!p0 $0x400;
	s1 =	sadd.s32 @!p0 s1, s2;
	s2 =	simm.s32 @!p0 $0x200  }
0x90: {  	[tilespmem:s0], [sflag:s25] =	stream.strided.gather @!p0 [hbm4b:s1+s2], $0x4000, s3, s2, $0x38;
	[tilespmem:$0x1D000] =	vst v63  }
0x91: {  	p0 =	sne.s32 s24, $0x8  }
.Ltmp1:
0x92: {  	_ = 	snop;
	(pc) =	sbr.rel @p0 .LBB2_2-.Ltmp1, $1  }
0x93: {  	_ =	sdelay $0x3  }
0x94: {  	s0 =	simm.s32 $0x7  }
0x95: {  	_ =	swait.ge [sflag:s0], $0x4000  }
0x96: {  	[sflag:s0] =	ssyncset.done $0x0  }
0x97: {  	s30 =	simm.s32 $0x5;
	[sflag:s0] =	ssyncadd.s32 $0xFFFFC000  }
0x98: {  	_ =	swait.ge [sflag:s30], $0x4000  }
0x99: {  	[sflag:s30] =	ssyncset.done $0x0  }
0x9a: {  	s1 =	simm.s32 $0x6;
	[sflag:s30] =	ssyncadd.s32 $0xFFFFC000  }
0x9b: {  	_ =	swait.ge [sflag:s1], $0x4000  }
0x9c: {  	s2 =	rddreg [dreg:$0xa]  }
0x9d: {  	s31 =	rddreg [dreg:$0x9];
	s2 =	sadd.s32 $0x1, s2  }
0x9e: {  	p0 =	sne.s32 s2, s31  }
.Ltmp2:
0x9f: {  	_ = 	snop;
	(pc) =	sbr.rel @p0 .LBB2_1-.Ltmp2, $3  }
0xa0: {  	_ =	sdelay $0x1  }
0xa1: {  	[sflag:s1] =	ssyncset.done $0x0  }
0xa2: {  	[sflag:s1] =	ssyncadd.s32 $0xFFFFC000  }
0xa3: {  	_ =	sfence.sel $0x180000  }
0xa4: {  	[bflag:$0x0] =	sbarrier.arrive $0xFFFF  }
0xa5: {  	_ =	strace $0x90000047  }
0xa6: {  	s0 =	stileid.u32;
	[bflag:$0x2] =	sbarrier.arrive $0xFFFF  }
0xa7: {  	p0 =	sne.s32 s0, $0x0;
	s0 =	rddreg [dreg:$0x3]  }
0xa8: {  	s0 =	sadd.s32 @!p0 $0x100000, s0  }
0xa9: {  	[sflag:s0] =	ssyncadd.tile.s32 @!p0 $0x1;
	_ =	shalt  }
.Lfunc_end2:
_tile_overlayer_lowered:
.L_overlay_start_2:
0xaa: {  	(tag) =	ssettag $0x2  }
0xab: {  	s0 =	rddreg [dreg:$0x0];
	s2 =	stileid.u32  }
0xac: {  	s1 =	rddreg [dreg:$0x1];
	p0 =	sne.s32 s2, $0x0  }
0xad: {  	s3 =	rddreg [dreg:$0x2];
	[bflag:$0x3] =	sbarrier.arrive $0xFFFF;
	s2 =	simm.s32 @!p0 $0x1C09  }
0xae: {  	[timem:s3], [sflag:s2] =	dma.local @!p0 [hbm:s0], s1  }
0xaf: {  	s0 =	simm.s32 @!p0 $0x9  }
0xb0: {  	_ =	swait.ge @!p0 [sflag:s0], s1  }
0xb1: {  	s1 =	ssub.s32 @!p0 $0x0, s1;
	[sflag:s0] =	ssyncset.done @!p0 $0x0  }
0xb2: {  	[sflag:s0] =	ssyncadd.s32 @!p0 s1  }
0xb3: {  	[bflag:$0x3] =	sbarrier.arrive $0xFFFF  }
0xb4: {  	_ =	shalt  }

</sc_bundles>
